<compile_context>
chip_gen: v7x
topology: tpu7x:2x2x1
jax: 0.10.2.dev20260603
libtpu: 0.0.44.dev20260713+nightly
codegen_flags: <defaults>
</compile_context>

<pallas_src>
import functools

import jax
import jax.numpy as jnp
from jax import lax
from jax.experimental import pallas as pl
from jax.experimental.pallas import tpu as pltpu
from jax.experimental.pallas import tpu_sc as plsc

_L = 16
_NBUF = 2


def _sc_body(nrows, w, ch, in_hbm, out_hbm, in_buf, out_buf, in_sem, out_sem):
    info = plsc.get_sparse_core_info()
    nw = info.num_cores * info.num_subcores
    wid = lax.axis_index("s") * info.num_cores + lax.axis_index("c")
    rows_per_w = nrows // nw
    nchunk = rows_per_w // ch
    base = wid * rows_per_w
    half = lax.shift_right_logical(lax.iota(jnp.int32, _L), 1)
    nj = w // _L

    def in_copy(c, slot):
        return pltpu.make_async_copy(
            in_hbm.at[pl.ds(base + c * ch, ch)], in_buf.at[slot], in_sem.at[slot])

    def out_copy(c, slot):
        return pltpu.make_async_copy(
            out_buf.at[slot], out_hbm.at[pl.ds(2 * (base + c * ch), 2 * ch)],
            out_sem.at[slot])

    def compute(slot):
        ib = in_buf.at[slot]
        ob = out_buf.at[slot]

        @functools.partial(plsc.parallel_loop, 0, ch, unroll=4)
        def row_body(r):
            rv = jnp.full((_L,), r, jnp.int32)
            for j in range(nj):
                lo = plsc.load_gather(ib, [rv, _L * j + half])
                hi = plsc.load_gather(ib, [rv, _L * j + 8 + half])
                ob[2 * r, pl.ds(2 * _L * j, _L)] = lo
                ob[2 * r, pl.ds(2 * _L * j + _L, _L)] = hi
                ob[2 * r + 1, pl.ds(2 * _L * j, _L)] = lo
                ob[2 * r + 1, pl.ds(2 * _L * j + _L, _L)] = hi

    for s in range(_NBUF):
        in_copy(s, s).start()

    def group_body(g, _):
        c0 = g * _NBUF
        for s in range(_NBUF):
            c = c0 + s
            in_copy(c, s).wait()
            @pl.when(c >= _NBUF)
            def _():
                out_copy(c - _NBUF, s).wait()
            compute(s)
            out_copy(c, s).start()
            @pl.when(c + _NBUF < nchunk)
            def _():
                in_copy(c + _NBUF, s).start()
        return 0

    lax.fori_loop(0, nchunk // _NBUF, group_body, 0)
    for s in range(_NBUF):
        out_copy(nchunk - _NBUF + s, s).wait()


def kernel(x):
    n, c, h, w = x.shape
    nrows = n * c * h
    ch = 64
    xf = x.reshape(nrows, w)
    body = functools.partial(_sc_body, nrows, w, ch)
    f = pl.kernel(
        body,
        out_type=jax.ShapeDtypeStruct((2 * nrows, 2 * w), x.dtype),
        mesh=plsc.VectorSubcoreMesh(core_axis_name="c", subcore_axis_name="s"),
        compiler_params=pltpu.CompilerParams(needs_layout_passes=False),
        scratch_types=[
            pltpu.VMEM((_NBUF, ch, w), x.dtype),
            pltpu.VMEM((_NBUF, 2 * ch, 2 * w), x.dtype),
            pltpu.SemaphoreType.DMA((_NBUF,)),
            pltpu.SemaphoreType.DMA((_NBUF,)),
        ],
    )
    out = f(xf)
    return out.reshape(n, c, 2 * h, 2 * w)

# --- scband reference (transcript-rebuilt; emitter-appended) ---
"""Pipeline reference for scband-unpool2d-5841155523015 (READ-ONLY COPY).

The authoritative reference and input builder live on the scoring server;
editing this copy changes nothing except your own understanding.
"""

import jax, jax.numpy as jnp
import numpy as np

POOL = (2, 2)

def setup_inputs(seed: int = 0) -> dict:
    key = jax.random.key(seed)
    x = jax.random.normal(key, (2, 96, 192, 192), dtype=jnp.float32)
    return {"x": x}

def reference(x) -> jnp.ndarray:
    # Unpool2d with indices=None and sequence_lengths=None:
    # F.interpolate(x, scale_factor=(2,2)) with default mode='nearest'
    # for NCHW input == repeat each spatial element pool times.
    if all(p < 2 for p in POOL):
        return x
    x = jnp.repeat(x, POOL[0], axis=2)
    x = jnp.repeat(x, POOL[1], axis=3)
    return x

if __name__ == "__main__":
    import jax
    _d = setup_inputs()
    print(jax.jit(kernel)(*tuple(_d.values())))

</pallas_src>

<mosaic_0001>
#map = affine_map<(d0, d1) -> (0, 0)>
module attributes {stable_mosaic.version = 14 : i64} {
  func.func @_sc_body(%arg0: i32, %arg1: i32, %arg2: memref<36864x192xf32, #tpu.memory_space<hbm>>, %arg3: memref<73728x384xf32, #tpu.memory_space<hbm>>, %arg4: memref<2x64x192xf32, #tpu.memory_space<vmem>>, %arg5: memref<2x128x384xf32, #tpu.memory_space<vmem>>, %arg6: memref<2x!tpu.dma_semaphore, #tpu.memory_space<semaphore_mem>>, %arg7: memref<2x!tpu.dma_semaphore, #tpu.memory_space<semaphore_mem>>) attributes {dimension_semantics = [#tpu.dimension_semantics<core_parallel>, #tpu.dimension_semantics<subcore_parallel>], iteration_bounds = array<i64: 2, 16>, scalar_prefetch = 0 : i64, scratch_operands = 4 : i64, tpu.core_type = #tpu.core_type<sc_vector_subcore>, window_params = [{transform_indices = #map}, {transform_indices = #map}]} {
    %mul3A = arith.constant 2 : i32
    %mul3A_0 = arith.muli %arg1, %mul3A : i32
    %add3A = arith.addi %mul3A_0, %arg0 : i32
    %mul3A_1 = arith.constant 1152 : i32
    %mul3A_2 = arith.muli %add3A, %mul3A_1 : i32
    %iota3A = tpu.iota {dimensions = array<i32: 0>} : vector<16xi32>
    %shift_right_logical3A = arith.constant 1 : i32
    %shift_right_logical3A_3 = vector.broadcast %shift_right_logical3A : i32 to vector<16xi32>
    %shift_right_logical3A_4 = arith.shrui %iota3A, %shift_right_logical3A_3 : vector<16xi32>
    %add3A_5 = arith.constant 0 : i32
    %add3A_6 = arith.addi %mul3A_2, %add3A_5 : i32
    %dma_start3A = arith.constant 0 : i32
    %dma_start3A_7 = arith.constant 0 : i32
    %dma_start3A_8 = arith.constant 0 : i32
    %dma_start3A_9 = arith.constant 0 : i32
    %dma_start3A_10 = tpu.memref_slice %arg4[%dma_start3A, %dma_start3A_8, %dma_start3A_9] : memref<2x64x192xf32, #tpu.memory_space<vmem>> -> memref<1x64x192xf32, #tpu.memory_space<vmem>>
    %dma_start3A_11 = tpu.memref_squeeze %dma_start3A_10 : memref<1x64x192xf32, #tpu.memory_space<vmem>> -> memref<64x192xf32, #tpu.memory_space<vmem>>
    %dma_start3A_12 = arith.constant 0 : i32
    %dma_start3A_13 = tpu.memref_slice %arg2[%add3A_6, %dma_start3A_12] : memref<36864x192xf32, #tpu.memory_space<hbm>> -> memref<64x192xf32, #tpu.memory_space<hbm>>
    %dma_start3A_14 = tpu.memref_slice %arg6[%dma_start3A_7] : memref<2x!tpu.dma_semaphore, #tpu.memory_space<semaphore_mem>> -> memref<1x!tpu.dma_semaphore, #tpu.memory_space<semaphore_mem>>
    %dma_start3A_15 = tpu.memref_squeeze %dma_start3A_14 : memref<1x!tpu.dma_semaphore, #tpu.memory_space<semaphore_mem>> -> memref<!tpu.dma_semaphore, #tpu.memory_space<semaphore_mem>>
    %dma_start3A_16 = arith.constant 0 : i32
    %dma_start3A_17 = arith.constant 0 : i32
    %dma_start3A_18 = tpu.memref_slice %arg4[%dma_start3A, %dma_start3A_16, %dma_start3A_17] : memref<2x64x192xf32, #tpu.memory_space<vmem>> -> memref<1x64x192xf32, #tpu.memory_space<vmem>>
    %dma_start3A_19 = tpu.memref_squeeze %dma_start3A_18 : memref<1x64x192xf32, #tpu.memory_space<vmem>> -> memref<64x192xf32, #tpu.memory_space<vmem>>
    %dma_start3A_20 = arith.constant 0 : i32
    %dma_start3A_21 = tpu.memref_slice %arg2[%add3A_6, %dma_start3A_20] : memref<36864x192xf32, #tpu.memory_space<hbm>> -> memref<64x192xf32, #tpu.memory_space<hbm>>
    tpu.enqueue_dma source(%dma_start3A_21 : memref<64x192xf32, #tpu.memory_space<hbm>>) target(%dma_start3A_19 : memref<64x192xf32, #tpu.memory_space<vmem>>) target_semaphore(%dma_start3A_15 : memref<!tpu.dma_semaphore, #tpu.memory_space<semaphore_mem>>)
    %add3A_22 = arith.constant 64 : i32
    %add3A_23 = arith.addi %mul3A_2, %add3A_22 : i32
    %dma_start3A_24 = arith.constant 1 : i32
    %dma_start3A_25 = arith.constant 1 : i32
    %dma_start3A_26 = arith.constant 0 : i32
    %dma_start3A_27 = arith.constant 0 : i32
    %dma_start3A_28 = tpu.memref_slice %arg4[%dma_start3A_24, %dma_start3A_26, %dma_start3A_27] : memref<2x64x192xf32, #tpu.memory_space<vmem>> -> memref<1x64x192xf32, #tpu.memory_space<vmem>>
    %dma_start3A_29 = tpu.memref_squeeze %dma_start3A_28 : memref<1x64x192xf32, #tpu.memory_space<vmem>> -> memref<64x192xf32, #tpu.memory_space<vmem>>
    %dma_start3A_30 = arith.constant 0 : i32
    %dma_start3A_31 = tpu.memref_slice %arg2[%add3A_23, %dma_start3A_30] : memref<36864x192xf32, #tpu.memory_space<hbm>> -> memref<64x192xf32, #tpu.memory_space<hbm>>
    %dma_start3A_32 = tpu.memref_slice %arg6[%dma_start3A_25] : memref<2x!tpu.dma_semaphore, #tpu.memory_space<semaphore_mem>> -> memref<1x!tpu.dma_semaphore, #tpu.memory_space<semaphore_mem>>
    %dma_start3A_33 = tpu.memref_squeeze %dma_start3A_32 : memref<1x!tpu.dma_semaphore, #tpu.memory_space<semaphore_mem>> -> memref<!tpu.dma_semaphore, #tpu.memory_space<semaphore_mem>>
    %dma_start3A_34 = arith.constant 0 : i32
    %dma_start3A_35 = arith.constant 0 : i32
    %dma_start3A_36 = tpu.memref_slice %arg4[%dma_start3A_24, %dma_start3A_34, %dma_start3A_35] : memref<2x64x192xf32, #tpu.memory_space<vmem>> -> memref<1x64x192xf32, #tpu.memory_space<vmem>>
    %dma_start3A_37 = tpu.memref_squeeze %dma_start3A_36 : memref<1x64x192xf32, #tpu.memory_space<vmem>> -> memref<64x192xf32, #tpu.memory_space<vmem>>
    %dma_start3A_38 = arith.constant 0 : i32
    %dma_start3A_39 = tpu.memref_slice %arg2[%add3A_23, %dma_start3A_38] : memref<36864x192xf32, #tpu.memory_space<hbm>> -> memref<64x192xf32, #tpu.memory_space<hbm>>
    tpu.enqueue_dma source(%dma_start3A_39 : memref<64x192xf32, #tpu.memory_space<hbm>>) target(%dma_start3A_37 : memref<64x192xf32, #tpu.memory_space<vmem>>) target_semaphore(%dma_start3A_33 : memref<!tpu.dma_semaphore, #tpu.memory_space<semaphore_mem>>)
    %scan3A = arith.constant 0 : i32
    %scan3A_40 = arith.constant 0 : i32
    %scan3A_41 = arith.constant 9 : i32
    %scan3A_42 = arith.addi %scan3A_40, %scan3A_41 : i32
    %scan3A_43 = arith.constant 1 : i32
    %scan3A_44 = scf.for %scan3A_85 = %scan3A_40 to %scan3A_42 step %scan3A_43 iter_args(%scan3A_86 = %scan3A) -> (i32)  : i32 {
      %mul3A_87 = arith.constant 2 : i32
      %mul3A_88 = arith.muli %scan3A_85, %mul3A_87 : i32
      %add3A_89 = arith.constant 0 : i32
      %add3A_90 = arith.addi %mul3A_88, %add3A_89 : i32
      %mul3A_91 = arith.constant 64 : i32
      %mul3A_92 = arith.muli %add3A_90, %mul3A_91 : i32
      %add3A_93 = arith.addi %mul3A_2, %mul3A_92 : i32
      %dma_wait3A_94 = arith.constant 0 : i32
      %dma_wait3A_95 = arith.constant 0 : i32
      %dma_wait3A_96 = arith.constant 0 : i32
      %dma_wait3A_97 = arith.constant 0 : i32
      %dma_wait3A_98 = tpu.memref_slice %arg4[%dma_wait3A_94, %dma_wait3A_96, %dma_wait3A_97] : memref<2x64x192xf32, #tpu.memory_space<vmem>> -> memref<1x64x192xf32, #tpu.memory_space<vmem>>
      %dma_wait3A_99 = tpu.memref_squeeze %dma_wait3A_98 : memref<1x64x192xf32, #tpu.memory_space<vmem>> -> memref<64x192xf32, #tpu.memory_space<vmem>>
      %dma_wait3A_100 = arith.constant 0 : i32
      %dma_wait3A_101 = tpu.memref_slice %arg2[%add3A_93, %dma_wait3A_100] : memref<36864x192xf32, #tpu.memory_space<hbm>> -> memref<64x192xf32, #tpu.memory_space<hbm>>
      %dma_wait3A_102 = tpu.memref_slice %arg6[%dma_wait3A_95] : memref<2x!tpu.dma_semaphore, #tpu.memory_space<semaphore_mem>> -> memref<1x!tpu.dma_semaphore, #tpu.memory_space<semaphore_mem>>
      %dma_wait3A_103 = tpu.memref_squeeze %dma_wait3A_102 : memref<1x!tpu.dma_semaphore, #tpu.memory_space<semaphore_mem>> -> memref<!tpu.dma_semaphore, #tpu.memory_space<semaphore_mem>>
      %dma_wait3A_104 = arith.constant 0 : i32
      %dma_wait3A_105 = arith.constant 0 : i32
      %dma_wait3A_106 = tpu.memref_slice %arg4[%dma_wait3A_94, %dma_wait3A_104, %dma_wait3A_105] : memref<2x64x192xf32, #tpu.memory_space<vmem>> -> memref<1x64x192xf32, #tpu.memory_space<vmem>>
      %dma_wait3A_107 = tpu.memref_squeeze %dma_wait3A_106 : memref<1x64x192xf32, #tpu.memory_space<vmem>> -> memref<64x192xf32, #tpu.memory_space<vmem>>
      %dma_wait3A_108 = arith.constant 0 : i32
      %dma_wait3A_109 = tpu.memref_slice %arg2[%add3A_93, %dma_wait3A_108] : memref<36864x192xf32, #tpu.memory_space<hbm>> -> memref<64x192xf32, #tpu.memory_space<hbm>>
      tpu.wait_dma2 semaphore(%dma_wait3A_103 : memref<!tpu.dma_semaphore, #tpu.memory_space<semaphore_mem>>) src(%dma_wait3A_109 : memref<64x192xf32, #tpu.memory_space<hbm>>) dst(%dma_wait3A_107 : memref<64x192xf32, #tpu.memory_space<vmem>>)
      %ge3A = arith.constant 2 : i32
      %ge3A_110 = arith.cmpi sge, %add3A_90, %ge3A : i32
      %convert_element_type3A = arith.extui %ge3A_110 : i1 to i32
      %cond3A = arith.constant 0 : i32
      %cond3A_111 = arith.cmpi ne, %convert_element_type3A, %cond3A : i32
      scf.if %cond3A_111 {
        %sub3A = arith.constant 2 : i32
        %sub3A_194 = arith.subi %add3A_90, %sub3A : i32
        %mul3A_195 = arith.constant 64 : i32
        %mul3A_196 = arith.muli %sub3A_194, %mul3A_195 : i32
        %add3A_197 = arith.addi %mul3A_2, %mul3A_196 : i32
        %mul3A_198 = arith.constant 2 : i32
        %mul3A_199 = arith.muli %mul3A_198, %add3A_197 : i32
        %dma_wait3A_200 = arith.constant 0 : i32
        %dma_wait3A_201 = arith.constant 0 : i32
        %dma_wait3A_202 = arith.constant 0 : i32
        %dma_wait3A_203 = arith.constant 0 : i32
        %dma_wait3A_204 = tpu.memref_slice %arg5[%dma_wait3A_200, %dma_wait3A_202, %dma_wait3A_203] : memref<2x128x384xf32, #tpu.memory_space<vmem>> -> memref<1x128x384xf32, #tpu.memory_space<vmem>>
        %dma_wait3A_205 = tpu.memref_squeeze %dma_wait3A_204 : memref<1x128x384xf32, #tpu.memory_space<vmem>> -> memref<128x384xf32, #tpu.memory_space<vmem>>
        %dma_wait3A_206 = arith.constant 0 : i32
        %dma_wait3A_207 = tpu.memref_slice %arg3[%mul3A_199, %dma_wait3A_206] : memref<73728x384xf32, #tpu.memory_space<hbm>> -> memref<128x384xf32, #tpu.memory_space<hbm>>
        %dma_wait3A_208 = tpu.memref_slice %arg7[%dma_wait3A_201] : memref<2x!tpu.dma_semaphore, #tpu.memory_space<semaphore_mem>> -> memref<1x!tpu.dma_semaphore, #tpu.memory_space<semaphore_mem>>
        %dma_wait3A_209 = tpu.memref_squeeze %dma_wait3A_208 : memref<1x!tpu.dma_semaphore, #tpu.memory_space<semaphore_mem>> -> memref<!tpu.dma_semaphore, #tpu.memory_space<semaphore_mem>>
        %dma_wait3A_210 = arith.constant 0 : i32
        %dma_wait3A_211 = tpu.memref_slice %arg3[%mul3A_199, %dma_wait3A_210] : memref<73728x384xf32, #tpu.memory_space<hbm>> -> memref<128x384xf32, #tpu.memory_space<hbm>>
        %dma_wait3A_212 = arith.constant 0 : i32
        %dma_wait3A_213 = arith.constant 0 : i32
        %dma_wait3A_214 = tpu.memref_slice %arg5[%dma_wait3A_200, %dma_wait3A_212, %dma_wait3A_213] : memref<2x128x384xf32, #tpu.memory_space<vmem>> -> memref<1x128x384xf32, #tpu.memory_space<vmem>>
        %dma_wait3A_215 = tpu.memref_squeeze %dma_wait3A_214 : memref<1x128x384xf32, #tpu.memory_space<vmem>> -> memref<128x384xf32, #tpu.memory_space<vmem>>
        tpu.wait_dma2 semaphore(%dma_wait3A_209 : memref<!tpu.dma_semaphore, #tpu.memory_space<semaphore_mem>>) src(%dma_wait3A_215 : memref<128x384xf32, #tpu.memory_space<vmem>>) dst(%dma_wait3A_211 : memref<128x384xf32, #tpu.memory_space<hbm>>)
      } else {
      }
      %mul3A_112 = arith.constant 64 : i32
      %mul3A_113 = arith.muli %add3A_90, %mul3A_112 : i32
      %add3A_114 = arith.addi %mul3A_2, %mul3A_113 : i32
      %mul3A_115 = arith.constant 2 : i32
      %mul3A_116 = arith.muli %mul3A_115, %add3A_114 : i32
      %dma_start3A_117 = arith.constant 0 : i32
      %dma_start3A_118 = arith.constant 0 : i32
      %dma_start3A_119 = arith.constant 0 : i32
      %dma_start3A_120 = arith.constant 0 : i32
      %dma_start3A_121 = tpu.memref_slice %arg5[%dma_start3A_117, %dma_start3A_119, %dma_start3A_120] : memref<2x128x384xf32, #tpu.memory_space<vmem>> -> memref<1x128x384xf32, #tpu.memory_space<vmem>>
      %dma_start3A_122 = tpu.memref_squeeze %dma_start3A_121 : memref<1x128x384xf32, #tpu.memory_space<vmem>> -> memref<128x384xf32, #tpu.memory_space<vmem>>
      %dma_start3A_123 = arith.constant 0 : i32
      %dma_start3A_124 = tpu.memref_slice %arg3[%mul3A_116, %dma_start3A_123] : memref<73728x384xf32, #tpu.memory_space<hbm>> -> memref<128x384xf32, #tpu.memory_space<hbm>>
      %dma_start3A_125 = tpu.memref_slice %arg7[%dma_start3A_118] : memref<2x!tpu.dma_semaphore, #tpu.memory_space<semaphore_mem>> -> memref<1x!tpu.dma_semaphore, #tpu.memory_space<semaphore_mem>>
      %dma_start3A_126 = tpu.memref_squeeze %dma_start3A_125 : memref<1x!tpu.dma_semaphore, #tpu.memory_space<semaphore_mem>> -> memref<!tpu.dma_semaphore, #tpu.memory_space<semaphore_mem>>
      %dma_start3A_127 = arith.constant 0 : i32
      %dma_start3A_128 = tpu.memref_slice %arg3[%mul3A_116, %dma_start3A_127] : memref<73728x384xf32, #tpu.memory_space<hbm>> -> memref<128x384xf32, #tpu.memory_space<hbm>>
      %dma_start3A_129 = arith.constant 0 : i32
      %dma_start3A_130 = arith.constant 0 : i32
      %dma_start3A_131 = tpu.memref_slice %arg5[%dma_start3A_117, %dma_start3A_129, %dma_start3A_130] : memref<2x128x384xf32, #tpu.memory_space<vmem>> -> memref<1x128x384xf32, #tpu.memory_space<vmem>>
      %dma_start3A_132 = tpu.memref_squeeze %dma_start3A_131 : memref<1x128x384xf32, #tpu.memory_space<vmem>> -> memref<128x384xf32, #tpu.memory_space<vmem>>
      tpu.enqueue_dma source(%dma_start3A_132 : memref<128x384xf32, #tpu.memory_space<vmem>>) target(%dma_start3A_128 : memref<128x384xf32, #tpu.memory_space<hbm>>) target_semaphore(%dma_start3A_126 : memref<!tpu.dma_semaphore, #tpu.memory_space<semaphore_mem>>)
      %add3A_133 = arith.constant 2 : i32
      %add3A_134 = arith.addi %add3A_90, %add3A_133 : i32
      %lt3A = arith.constant 18 : i32
      %lt3A_135 = arith.cmpi slt, %add3A_134, %lt3A : i32
      %convert_element_type3A_136 = arith.extui %lt3A_135 : i1 to i32
      %cond3A_137 = arith.constant 0 : i32
      %cond3A_138 = arith.cmpi ne, %convert_element_type3A_136, %cond3A_137 : i32
      scf.if %cond3A_138 {
        %add3A_194 = arith.constant 2 : i32
        %add3A_195 = arith.addi %add3A_90, %add3A_194 : i32
        %mul3A_196 = arith.constant 64 : i32
        %mul3A_197 = arith.muli %add3A_195, %mul3A_196 : i32
        %add3A_198 = arith.addi %mul3A_2, %mul3A_197 : i32
        %dma_start3A_199 = arith.constant 0 : i32
        %dma_start3A_200 = arith.constant 0 : i32
        %dma_start3A_201 = arith.constant 0 : i32
        %dma_start3A_202 = arith.constant 0 : i32
        %dma_start3A_203 = tpu.memref_slice %arg4[%dma_start3A_199, %dma_start3A_201, %dma_start3A_202] : memref<2x64x192xf32, #tpu.memory_space<vmem>> -> memref<1x64x192xf32, #tpu.memory_space<vmem>>
        %dma_start3A_204 = tpu.memref_squeeze %dma_start3A_203 : memref<1x64x192xf32, #tpu.memory_space<vmem>> -> memref<64x192xf32, #tpu.memory_space<vmem>>
        %dma_start3A_205 = arith.constant 0 : i32
        %dma_start3A_206 = tpu.memref_slice %arg2[%add3A_198, %dma_start3A_205] : memref<36864x192xf32, #tpu.memory_space<hbm>> -> memref<64x192xf32, #tpu.memory_space<hbm>>
        %dma_start3A_207 = tpu.memref_slice %arg6[%dma_start3A_200] : memref<2x!tpu.dma_semaphore, #tpu.memory_space<semaphore_mem>> -> memref<1x!tpu.dma_semaphore, #tpu.memory_space<semaphore_mem>>
        %dma_start3A_208 = tpu.memref_squeeze %dma_start3A_207 : memref<1x!tpu.dma_semaphore, #tpu.memory_space<semaphore_mem>> -> memref<!tpu.dma_semaphore, #tpu.memory_space<semaphore_mem>>
        %dma_start3A_209 = arith.constant 0 : i32
        %dma_start3A_210 = arith.constant 0 : i32
        %dma_start3A_211 = tpu.memref_slice %arg4[%dma_start3A_199, %dma_start3A_209, %dma_start3A_210] : memref<2x64x192xf32, #tpu.memory_space<vmem>> -> memref<1x64x192xf32, #tpu.memory_space<vmem>>
        %dma_start3A_212 = tpu.memref_squeeze %dma_start3A_211 : memref<1x64x192xf32, #tpu.memory_space<vmem>> -> memref<64x192xf32, #tpu.memory_space<vmem>>
        %dma_start3A_213 = arith.constant 0 : i32
        %dma_start3A_214 = tpu.memref_slice %arg2[%add3A_198, %dma_start3A_213] : memref<36864x192xf32, #tpu.memory_space<hbm>> -> memref<64x192xf32, #tpu.memory_space<hbm>>
        tpu.enqueue_dma source(%dma_start3A_214 : memref<64x192xf32, #tpu.memory_space<hbm>>) target(%dma_start3A_212 : memref<64x192xf32, #tpu.memory_space<vmem>>) target_semaphore(%dma_start3A_208 : memref<!tpu.dma_semaphore, #tpu.memory_space<semaphore_mem>>)
      } else {
      }
      %add3A_139 = arith.constant 1 : i32
      %add3A_140 = arith.addi %mul3A_88, %add3A_139 : i32
      %mul3A_141 = arith.constant 64 : i32
      %mul3A_142 = arith.muli %add3A_140, %mul3A_141 : i32
      %add3A_143 = arith.addi %mul3A_2, %mul3A_142 : i32
      %dma_wait3A_144 = arith.constant 1 : i32
      %dma_wait3A_145 = arith.constant 1 : i32
      %dma_wait3A_146 = arith.constant 0 : i32
      %dma_wait3A_147 = arith.constant 0 : i32
      %dma_wait3A_148 = tpu.memref_slice %arg4[%dma_wait3A_144, %dma_wait3A_146, %dma_wait3A_147] : memref<2x64x192xf32, #tpu.memory_space<vmem>> -> memref<1x64x192xf32, #tpu.memory_space<vmem>>
      %dma_wait3A_149 = tpu.memref_squeeze %dma_wait3A_148 : memref<1x64x192xf32, #tpu.memory_space<vmem>> -> memref<64x192xf32, #tpu.memory_space<vmem>>
      %dma_wait3A_150 = arith.constant 0 : i32
      %dma_wait3A_151 = tpu.memref_slice %arg2[%add3A_143, %dma_wait3A_150] : memref<36864x192xf32, #tpu.memory_space<hbm>> -> memref<64x192xf32, #tpu.memory_space<hbm>>
      %dma_wait3A_152 = tpu.memref_slice %arg6[%dma_wait3A_145] : memref<2x!tpu.dma_semaphore, #tpu.memory_space<semaphore_mem>> -> memref<1x!tpu.dma_semaphore, #tpu.memory_space<semaphore_mem>>
      %dma_wait3A_153 = tpu.memref_squeeze %dma_wait3A_152 : memref<1x!tpu.dma_semaphore, #tpu.memory_space<semaphore_mem>> -> memref<!tpu.dma_semaphore, #tpu.memory_space<semaphore_mem>>
      %dma_wait3A_154 = arith.constant 0 : i32
      %dma_wait3A_155 = arith.constant 0 : i32
      %dma_wait3A_156 = tpu.memref_slice %arg4[%dma_wait3A_144, %dma_wait3A_154, %dma_wait3A_155] : memref<2x64x192xf32, #tpu.memory_space<vmem>> -> memref<1x64x192xf32, #tpu.memory_space<vmem>>
      %dma_wait3A_157 = tpu.memref_squeeze %dma_wait3A_156 : memref<1x64x192xf32, #tpu.memory_space<vmem>> -> memref<64x192xf32, #tpu.memory_space<vmem>>
      %dma_wait3A_158 = arith.constant 0 : i32
      %dma_wait3A_159 = tpu.memref_slice %arg2[%add3A_143, %dma_wait3A_158] : memref<36864x192xf32, #tpu.memory_space<hbm>> -> memref<64x192xf32, #tpu.memory_space<hbm>>
      tpu.wait_dma2 semaphore(%dma_wait3A_153 : memref<!tpu.dma_semaphore, #tpu.memory_space<semaphore_mem>>) src(%dma_wait3A_159 : memref<64x192xf32, #tpu.memory_space<hbm>>) dst(%dma_wait3A_157 : memref<64x192xf32, #tpu.memory_space<vmem>>)
      %ge3A_160 = arith.constant 2 : i32
      %ge3A_161 = arith.cmpi sge, %add3A_140, %ge3A_160 : i32
      %convert_element_type3A_162 = arith.extui %ge3A_161 : i1 to i32
      %cond3A_163 = arith.constant 0 : i32
      %cond3A_164 = arith.cmpi ne, %convert_element_type3A_162, %cond3A_163 : i32
      scf.if %cond3A_164 {
        %sub3A = arith.constant 2 : i32
        %sub3A_194 = arith.subi %add3A_140, %sub3A : i32
        %mul3A_195 = arith.constant 64 : i32
        %mul3A_196 = arith.muli %sub3A_194, %mul3A_195 : i32
        %add3A_197 = arith.addi %mul3A_2, %mul3A_196 : i32
        %mul3A_198 = arith.constant 2 : i32
        %mul3A_199 = arith.muli %mul3A_198, %add3A_197 : i32
        %dma_wait3A_200 = arith.constant 1 : i32
        %dma_wait3A_201 = arith.constant 1 : i32
        %dma_wait3A_202 = arith.constant 0 : i32
        %dma_wait3A_203 = arith.constant 0 : i32
        %dma_wait3A_204 = tpu.memref_slice %arg5[%dma_wait3A_200, %dma_wait3A_202, %dma_wait3A_203] : memref<2x128x384xf32, #tpu.memory_space<vmem>> -> memref<1x128x384xf32, #tpu.memory_space<vmem>>
        %dma_wait3A_205 = tpu.memref_squeeze %dma_wait3A_204 : memref<1x128x384xf32, #tpu.memory_space<vmem>> -> memref<128x384xf32, #tpu.memory_space<vmem>>
        %dma_wait3A_206 = arith.constant 0 : i32
        %dma_wait3A_207 = tpu.memref_slice %arg3[%mul3A_199, %dma_wait3A_206] : memref<73728x384xf32, #tpu.memory_space<hbm>> -> memref<128x384xf32, #tpu.memory_space<hbm>>
        %dma_wait3A_208 = tpu.memref_slice %arg7[%dma_wait3A_201] : memref<2x!tpu.dma_semaphore, #tpu.memory_space<semaphore_mem>> -> memref<1x!tpu.dma_semaphore, #tpu.memory_space<semaphore_mem>>
        %dma_wait3A_209 = tpu.memref_squeeze %dma_wait3A_208 : memref<1x!tpu.dma_semaphore, #tpu.memory_space<semaphore_mem>> -> memref<!tpu.dma_semaphore, #tpu.memory_space<semaphore_mem>>
        %dma_wait3A_210 = arith.constant 0 : i32
        %dma_wait3A_211 = tpu.memref_slice %arg3[%mul3A_199, %dma_wait3A_210] : memref<73728x384xf32, #tpu.memory_space<hbm>> -> memref<128x384xf32, #tpu.memory_space<hbm>>
        %dma_wait3A_212 = arith.constant 0 : i32
        %dma_wait3A_213 = arith.constant 0 : i32
        %dma_wait3A_214 = tpu.memref_slice %arg5[%dma_wait3A_200, %dma_wait3A_212, %dma_wait3A_213] : memref<2x128x384xf32, #tpu.memory_space<vmem>> -> memref<1x128x384xf32, #tpu.memory_space<vmem>>
        %dma_wait3A_215 = tpu.memref_squeeze %dma_wait3A_214 : memref<1x128x384xf32, #tpu.memory_space<vmem>> -> memref<128x384xf32, #tpu.memory_space<vmem>>
        tpu.wait_dma2 semaphore(%dma_wait3A_209 : memref<!tpu.dma_semaphore, #tpu.memory_space<semaphore_mem>>) src(%dma_wait3A_215 : memref<128x384xf32, #tpu.memory_space<vmem>>) dst(%dma_wait3A_211 : memref<128x384xf32, #tpu.memory_space<hbm>>)
      } else {
      }
      %mul3A_165 = arith.constant 64 : i32
      %mul3A_166 = arith.muli %add3A_140, %mul3A_165 : i32
      %add3A_167 = arith.addi %mul3A_2, %mul3A_166 : i32
      %mul3A_168 = arith.constant 2 : i32
      %mul3A_169 = arith.muli %mul3A_168, %add3A_167 : i32
      %dma_start3A_170 = arith.constant 1 : i32
      %dma_start3A_171 = arith.constant 1 : i32
      %dma_start3A_172 = arith.constant 0 : i32
      %dma_start3A_173 = arith.constant 0 : i32
      %dma_start3A_174 = tpu.memref_slice %arg5[%dma_start3A_170, %dma_start3A_172, %dma_start3A_173] : memref<2x128x384xf32, #tpu.memory_space<vmem>> -> memref<1x128x384xf32, #tpu.memory_space<vmem>>
      %dma_start3A_175 = tpu.memref_squeeze %dma_start3A_174 : memref<1x128x384xf32, #tpu.memory_space<vmem>> -> memref<128x384xf32, #tpu.memory_space<vmem>>
      %dma_start3A_176 = arith.constant 0 : i32
      %dma_start3A_177 = tpu.memref_slice %arg3[%mul3A_169, %dma_start3A_176] : memref<73728x384xf32, #tpu.memory_space<hbm>> -> memref<128x384xf32, #tpu.memory_space<hbm>>
      %dma_start3A_178 = tpu.memref_slice %arg7[%dma_start3A_171] : memref<2x!tpu.dma_semaphore, #tpu.memory_space<semaphore_mem>> -> memref<1x!tpu.dma_semaphore, #tpu.memory_space<semaphore_mem>>
      %dma_start3A_179 = tpu.memref_squeeze %dma_start3A_178 : memref<1x!tpu.dma_semaphore, #tpu.memory_space<semaphore_mem>> -> memref<!tpu.dma_semaphore, #tpu.memory_space<semaphore_mem>>
      %dma_start3A_180 = arith.constant 0 : i32
      %dma_start3A_181 = tpu.memref_slice %arg3[%mul3A_169, %dma_start3A_180] : memref<73728x384xf32, #tpu.memory_space<hbm>> -> memref<128x384xf32, #tpu.memory_space<hbm>>
      %dma_start3A_182 = arith.constant 0 : i32
      %dma_start3A_183 = arith.constant 0 : i32
      %dma_start3A_184 = tpu.memref_slice %arg5[%dma_start3A_170, %dma_start3A_182, %dma_start3A_183] : memref<2x128x384xf32, #tpu.memory_space<vmem>> -> memref<1x128x384xf32, #tpu.memory_space<vmem>>
      %dma_start3A_185 = tpu.memref_squeeze %dma_start3A_184 : memref<1x128x384xf32, #tpu.memory_space<vmem>> -> memref<128x384xf32, #tpu.memory_space<vmem>>
      tpu.enqueue_dma source(%dma_start3A_185 : memref<128x384xf32, #tpu.memory_space<vmem>>) target(%dma_start3A_181 : memref<128x384xf32, #tpu.memory_space<hbm>>) target_semaphore(%dma_start3A_179 : memref<!tpu.dma_semaphore, #tpu.memory_space<semaphore_mem>>)
      %add3A_186 = arith.constant 2 : i32
      %add3A_187 = arith.addi %add3A_140, %add3A_186 : i32
      %lt3A_188 = arith.constant 18 : i32
      %lt3A_189 = arith.cmpi slt, %add3A_187, %lt3A_188 : i32
      %convert_element_type3A_190 = arith.extui %lt3A_189 : i1 to i32
      %cond3A_191 = arith.constant 0 : i32
      %cond3A_192 = arith.cmpi ne, %convert_element_type3A_190, %cond3A_191 : i32
      scf.if %cond3A_192 {
        %add3A_194 = arith.constant 2 : i32
        %add3A_195 = arith.addi %add3A_140, %add3A_194 : i32
        %mul3A_196 = arith.constant 64 : i32
        %mul3A_197 = arith.muli %add3A_195, %mul3A_196 : i32
        %add3A_198 = arith.addi %mul3A_2, %mul3A_197 : i32
        %dma_start3A_199 = arith.constant 1 : i32
        %dma_start3A_200 = arith.constant 1 : i32
        %dma_start3A_201 = arith.constant 0 : i32
        %dma_start3A_202 = arith.constant 0 : i32
        %dma_start3A_203 = tpu.memref_slice %arg4[%dma_start3A_199, %dma_start3A_201, %dma_start3A_202] : memref<2x64x192xf32, #tpu.memory_space<vmem>> -> memref<1x64x192xf32, #tpu.memory_space<vmem>>
        %dma_start3A_204 = tpu.memref_squeeze %dma_start3A_203 : memref<1x64x192xf32, #tpu.memory_space<vmem>> -> memref<64x192xf32, #tpu.memory_space<vmem>>
        %dma_start3A_205 = arith.constant 0 : i32
        %dma_start3A_206 = tpu.memref_slice %arg2[%add3A_198, %dma_start3A_205] : memref<36864x192xf32, #tpu.memory_space<hbm>> -> memref<64x192xf32, #tpu.memory_space<hbm>>
        %dma_start3A_207 = tpu.memref_slice %arg6[%dma_start3A_200] : memref<2x!tpu.dma_semaphore, #tpu.memory_space<semaphore_mem>> -> memref<1x!tpu.dma_semaphore, #tpu.memory_space<semaphore_mem>>
        %dma_start3A_208 = tpu.memref_squeeze %dma_start3A_207 : memref<1x!tpu.dma_semaphore, #tpu.memory_space<semaphore_mem>> -> memref<!tpu.dma_semaphore, #tpu.memory_space<semaphore_mem>>
        %dma_start3A_209 = arith.constant 0 : i32
        %dma_start3A_210 = arith.constant 0 : i32
        %dma_start3A_211 = tpu.memref_slice %arg4[%dma_start3A_199, %dma_start3A_209, %dma_start3A_210] : memref<2x64x192xf32, #tpu.memory_space<vmem>> -> memref<1x64x192xf32, #tpu.memory_space<vmem>>
        %dma_start3A_212 = tpu.memref_squeeze %dma_start3A_211 : memref<1x64x192xf32, #tpu.memory_space<vmem>> -> memref<64x192xf32, #tpu.memory_space<vmem>>
        %dma_start3A_213 = arith.constant 0 : i32
        %dma_start3A_214 = tpu.memref_slice %arg2[%add3A_198, %dma_start3A_213] : memref<36864x192xf32, #tpu.memory_space<hbm>> -> memref<64x192xf32, #tpu.memory_space<hbm>>
        tpu.enqueue_dma source(%dma_start3A_214 : memref<64x192xf32, #tpu.memory_space<hbm>>) target(%dma_start3A_212 : memref<64x192xf32, #tpu.memory_space<vmem>>) target_semaphore(%dma_start3A_208 : memref<!tpu.dma_semaphore, #tpu.memory_space<semaphore_mem>>)
      } else {
      }
      %scan3A_193 = arith.constant 0 : i32
      scf.yield %scan3A_193 : i32
    }
    %scan3A_45 = arith.constant 9 : i32
    %add3A_46 = arith.constant 1024 : i32
    %add3A_47 = arith.addi %mul3A_2, %add3A_46 : i32
    %mul3A_48 = arith.constant 2 : i32
    %mul3A_49 = arith.muli %mul3A_48, %add3A_47 : i32
    %dma_wait3A = arith.constant 0 : i32
    %dma_wait3A_50 = arith.constant 0 : i32
    %dma_wait3A_51 = arith.constant 0 : i32
    %dma_wait3A_52 = arith.constant 0 : i32
    %dma_wait3A_53 = tpu.memref_slice %arg5[%dma_wait3A, %dma_wait3A_51, %dma_wait3A_52] : memref<2x128x384xf32, #tpu.memory_space<vmem>> -> memref<1x128x384xf32, #tpu.memory_space<vmem>>
    %dma_wait3A_54 = tpu.memref_squeeze %dma_wait3A_53 : memref<1x128x384xf32, #tpu.memory_space<vmem>> -> memref<128x384xf32, #tpu.memory_space<vmem>>
    %dma_wait3A_55 = arith.constant 0 : i32
    %dma_wait3A_56 = tpu.memref_slice %arg3[%mul3A_49, %dma_wait3A_55] : memref<73728x384xf32, #tpu.memory_space<hbm>> -> memref<128x384xf32, #tpu.memory_space<hbm>>
    %dma_wait3A_57 = tpu.memref_slice %arg7[%dma_wait3A_50] : memref<2x!tpu.dma_semaphore, #tpu.memory_space<semaphore_mem>> -> memref<1x!tpu.dma_semaphore, #tpu.memory_space<semaphore_mem>>
    %dma_wait3A_58 = tpu.memref_squeeze %dma_wait3A_57 : memref<1x!tpu.dma_semaphore, #tpu.memory_space<semaphore_mem>> -> memref<!tpu.dma_semaphore, #tpu.memory_space<semaphore_mem>>
    %dma_wait3A_59 = arith.constant 0 : i32
    %dma_wait3A_60 = tpu.memref_slice %arg3[%mul3A_49, %dma_wait3A_59] : memref<73728x384xf32, #tpu.memory_space<hbm>> -> memref<128x384xf32, #tpu.memory_space<hbm>>
    %dma_wait3A_61 = arith.constant 0 : i32
    %dma_wait3A_62 = arith.constant 0 : i32
    %dma_wait3A_63 = tpu.memref_slice %arg5[%dma_wait3A, %dma_wait3A_61, %dma_wait3A_62] : memref<2x128x384xf32, #tpu.memory_space<vmem>> -> memref<1x128x384xf32, #tpu.memory_space<vmem>>
    %dma_wait3A_64 = tpu.memref_squeeze %dma_wait3A_63 : memref<1x128x384xf32, #tpu.memory_space<vmem>> -> memref<128x384xf32, #tpu.memory_space<vmem>>
    tpu.wait_dma2 semaphore(%dma_wait3A_58 : memref<!tpu.dma_semaphore, #tpu.memory_space<semaphore_mem>>) src(%dma_wait3A_64 : memref<128x384xf32, #tpu.memory_space<vmem>>) dst(%dma_wait3A_60 : memref<128x384xf32, #tpu.memory_space<hbm>>)
    %add3A_65 = arith.constant 1088 : i32
    %add3A_66 = arith.addi %mul3A_2, %add3A_65 : i32
    %mul3A_67 = arith.constant 2 : i32
    %mul3A_68 = arith.muli %mul3A_67, %add3A_66 : i32
    %dma_wait3A_69 = arith.constant 1 : i32
    %dma_wait3A_70 = arith.constant 1 : i32
    %dma_wait3A_71 = arith.constant 0 : i32
    %dma_wait3A_72 = arith.constant 0 : i32
    %dma_wait3A_73 = tpu.memref_slice %arg5[%dma_wait3A_69, %dma_wait3A_71, %dma_wait3A_72] : memref<2x128x384xf32, #tpu.memory_space<vmem>> -> memref<1x128x384xf32, #tpu.memory_space<vmem>>
    %dma_wait3A_74 = tpu.memref_squeeze %dma_wait3A_73 : memref<1x128x384xf32, #tpu.memory_space<vmem>> -> memref<128x384xf32, #tpu.memory_space<vmem>>
    %dma_wait3A_75 = arith.constant 0 : i32
    %dma_wait3A_76 = tpu.memref_slice %arg3[%mul3A_68, %dma_wait3A_75] : memref<73728x384xf32, #tpu.memory_space<hbm>> -> memref<128x384xf32, #tpu.memory_space<hbm>>
    %dma_wait3A_77 = tpu.memref_slice %arg7[%dma_wait3A_70] : memref<2x!tpu.dma_semaphore, #tpu.memory_space<semaphore_mem>> -> memref<1x!tpu.dma_semaphore, #tpu.memory_space<semaphore_mem>>
    %dma_wait3A_78 = tpu.memref_squeeze %dma_wait3A_77 : memref<1x!tpu.dma_semaphore, #tpu.memory_space<semaphore_mem>> -> memref<!tpu.dma_semaphore, #tpu.memory_space<semaphore_mem>>
    %dma_wait3A_79 = arith.constant 0 : i32
    %dma_wait3A_80 = tpu.memref_slice %arg3[%mul3A_68, %dma_wait3A_79] : memref<73728x384xf32, #tpu.memory_space<hbm>> -> memref<128x384xf32, #tpu.memory_space<hbm>>
    %dma_wait3A_81 = arith.constant 0 : i32
    %dma_wait3A_82 = arith.constant 0 : i32
    %dma_wait3A_83 = tpu.memref_slice %arg5[%dma_wait3A_69, %dma_wait3A_81, %dma_wait3A_82] : memref<2x128x384xf32, #tpu.memory_space<vmem>> -> memref<1x128x384xf32, #tpu.memory_space<vmem>>
    %dma_wait3A_84 = tpu.memref_squeeze %dma_wait3A_83 : memref<1x128x384xf32, #tpu.memory_space<vmem>> -> memref<128x384xf32, #tpu.memory_space<vmem>>
    tpu.wait_dma2 semaphore(%dma_wait3A_78 : memref<!tpu.dma_semaphore, #tpu.memory_space<semaphore_mem>>) src(%dma_wait3A_84 : memref<128x384xf32, #tpu.memory_space<vmem>>) dst(%dma_wait3A_80 : memref<128x384xf32, #tpu.memory_space<hbm>>)
    return
  }
}

</mosaic_0001>

<sc_bundles>
// kernel: kernel.3.cloned.1.call-start
scs
__scs_entry_jumppad:
0x0: {  	(pc) =	sbr.rel $0x88, $3  }
0x1: {  	(tag) =	ssettag $0x0;
	lr =	simm.s32 $0x1  }
0x2: {  	[smem:$0x3FA0] =	sst lr;
	_ =	strace $0xD0000000  }
0x3: {  	_ = 	snop  }
0x4: {  	_ = 	snop  }
0x5: {  	_ = 	snop  }
0x6: {  	_ = 	snop  }
0x7: {  	_ = 	snop  }
__scs_overlays_trampoline_lowered:
0x8: {  	[smem:$0x3FAF] =	sst s0  }
0x9: {  	[smem:$0x3FB0] =	sst s1  }
0xa: {  	[smem:$0x3FB1] =	sst s2  }
0xb: {  	[smem:$0x3FB2] =	sst s3  }
0xc: {  	[smem:$0x3FB3] =	sst s4  }
0xd: {  	[smem:$0x3FB4] =	sst s5  }
0xe: {  	[smem:$0x3FB5] =	sst s6  }
0xf: {  	[smem:$0x3FB6] =	sst s7  }
0x10: {  	[smem:$0x3FB7] =	sst s8  }
0x11: {  	[smem:$0x3FB8] =	sst s9;
	s0 =	simm.s32 @!p0 $0x0  }
0x12: {  	s1 =	sld [smem:$0x3F9E];
	s0 =	simm.s32 @p0 $0x1  }
0x13: {  	[smem:$0x3FB9] =	sst s0;
	s0 =	simm.s32 @!p1 $0x0  }
0x14: {  	s2 =	sld [smem:$0x3F9D];
	s0 =	simm.s32 @p1 $0x1  }
0x15: {  	[smem:$0x3FBA] =	sst s0;
	s0 =	simm.s32 @!p2 $0x0  }
0x16: {  	s3 =	sld [smem:$0x3FDB];
	s0 =	simm.s32 @p2 $0x1  }
0x17: {  	s4 =	simm.s32 $0x1BF5;
	[smem:$0x3FBC] =	sst s0  }
0x18: {  	s0 =	sld [smem:$0x3F9F];
	_ =	swait.ge [sflag:s4], $0x0  }
0x19: {  	s7 =	sld [smem:$0x3FA0]  }
0x1a: {  	s8 =	sadd.s32 $0xFFFFE003, lr  }
0x1b: {  	s9 =	sadd.s32 $0xFFFFFEF7, lr;
	s5 =	simm.s32 $0xFFFFFFFF;
	p2 =	slt.u32 s8, $0xFFFFF086  }
0x1c: {  	p1 =	slt.u32 s9, $0xF7A;
	s5 =	simm.s32 @!p2 $0x0  }
0x1d: {  	s5 =	simm.s32 @p1 $0x1;
	p0 =	seq.s32 s7, s2  }
0x1e: {  	s7 =	smul.u32 @!p0 $0xF7A, s2;
	p2 =	seq.s32 @!p0 s5, $0x0  }
0x1f: {  	s9 =	smul.u32 $0xF7A, s1;
	s8 =	simm.s32 @!p0 $0x1BF5;
	p2 =	por !p2, p0  }
0x20: {  	[sflag:s8] =	ssyncset.s32 @!p0 $0xFFFFF086;
	s6 =	sadd.s32 @!p0 s3, s7;
	s7 =	simm.s32 @!p0 $0x108  }
0x21: {  	s3 =	sadd.s32 s3, s9;
	s6 =	sadd.s32 @!p0 $0x88, s6;
	s7 =	simm.s32 @p2 $0x1082  }
0x22: {  	[simem:s7], [sflag:s8] =	dma.local @!p0 [hbm:s6], $0xF7A  }
0x23: {  	s9 =	sor.u32 $0xD0000000, s2;
	s6 =	simm.s32 $0x108;
	_ =	swait.ge @!p0 [sflag:s8], $0x0  }
0x24: {  	s3 =	sadd.s32 $0x88, s3;
	s6 =	simm.s32 @!p1 $0x1082;
	[sflag:s4] =	ssyncset.s32 $0xFFFFF086  }
0x25: {  	[simem:s6], [sflag:s4] =	dma.local [hbm:s3], $0xF7A  }
0x26: {  	[smem:$0x3FA0] =	sst s1;
	(tag) =	ssettag s2;
	_ =	strace s9  }
0x27: {  	s1 =	sld [smem:$0x3FB0]  }
0x28: {  	s2 =	sld [smem:$0x3FB1]  }
0x29: {  	s4 =	sld [smem:$0x3FB3]  }
0x2a: {  	p0 =	seq.s32 s5, $0x0;
	s5 =	sld [smem:$0x3FB4]  }
0x2b: {  	s6 =	sld [smem:$0x3FB5]  }
0x2c: {  	s7 =	sld [smem:$0x3FB6]  }
0x2d: {  	s3 =	simm.s32 $0x108;
	s8 =	sld [smem:$0x3FB7]  }
0x2e: {  	s3 =	simm.s32 @!p0 $0x1082;
	s9 =	sld [smem:$0x3FB8]  }
0x2f: {  	lr =	sadd.s32 s0, s3;
	s0 =	sld [smem:$0x3FAF]  }
0x30: {  	s3 =	sld [smem:$0x3FB2]  }
0x31: {  	[smem:$0x3FBB] =	sst s10  }
0x32: {  	s10 =	sld [smem:$0x3FB9];
	_ =	sdelay $0x3  }
0x33: {  	p0 =	seq.s32 s10, $0x1;
	s10 =	sld [smem:$0x3FBB];
	_ =	sdelay $0x3  }
0x34: {  	[smem:$0x3FBB] =	sst s10  }
0x35: {  	s10 =	sld [smem:$0x3FBA];
	_ =	sdelay $0x3  }
0x36: {  	p1 =	seq.s32 s10, $0x1;
	s10 =	sld [smem:$0x3FBB];
	_ =	sdelay $0x3  }
0x37: {  	[smem:$0x3FBB] =	sst s10  }
0x38: {  	s10 =	sld [smem:$0x3FBC]  }
0x39: {  	_ = 	snop;
	(pc) =	sbr.ind lr, $3  }
0x3a: {  	_ = 	snop  }
0x3b: {  	_ = 	snop  }
0x3c: {  	p2 =	seq.s32 s10, $0x1;
	s10 =	sld [smem:$0x3FBB]  }
0x3d: {  	_ =	shalt  }
0x3e: {  	_ =	shalt  }
0x3f: {  	_ =	shalt  }
0x40: {  	_ =	shalt  }
0x41: {  	_ =	shalt  }
0x42: {  	_ =	shalt  }
0x43: {  	_ =	shalt  }
0x44: {  	_ =	shalt  }
0x45: {  	_ =	shalt  }
0x46: {  	_ =	shalt  }
0x47: {  	_ =	shalt  }
0x48: {  	_ =	shalt  }
0x49: {  	_ =	shalt  }
0x4a: {  	_ =	shalt  }
0x4b: {  	_ =	shalt  }
0x4c: {  	_ =	shalt  }
0x4d: {  	_ =	shalt  }
0x4e: {  	_ =	shalt  }
0x4f: {  	_ =	shalt  }
0x50: {  	_ =	shalt  }
0x51: {  	_ =	shalt  }
0x52: {  	_ =	shalt  }
0x53: {  	_ =	shalt  }
0x54: {  	_ =	shalt  }
0x55: {  	_ =	shalt  }
0x56: {  	_ =	shalt  }
0x57: {  	_ =	shalt  }
0x58: {  	_ =	shalt  }
0x59: {  	_ =	shalt  }
0x5a: {  	_ =	shalt  }
0x5b: {  	_ =	shalt  }
0x5c: {  	_ =	shalt  }
0x5d: {  	_ =	shalt  }
0x5e: {  	_ =	shalt  }
0x5f: {  	_ =	shalt  }
0x60: {  	_ =	shalt  }
0x61: {  	_ =	shalt  }
0x62: {  	_ =	shalt  }
0x63: {  	_ =	shalt  }
0x64: {  	_ =	shalt  }
0x65: {  	_ =	shalt  }
0x66: {  	_ =	shalt  }
0x67: {  	_ =	shalt  }
0x68: {  	_ =	shalt  }
0x69: {  	_ =	shalt  }
0x6a: {  	_ =	shalt  }
0x6b: {  	_ =	shalt  }
0x6c: {  	_ =	shalt  }
0x6d: {  	_ =	shalt  }
0x6e: {  	_ =	shalt  }
0x6f: {  	_ =	shalt  }
0x70: {  	_ =	shalt  }
0x71: {  	_ =	shalt  }
0x72: {  	_ =	shalt  }
0x73: {  	_ =	shalt  }
0x74: {  	_ =	shalt  }
0x75: {  	_ =	shalt  }
0x76: {  	_ =	shalt  }
0x77: {  	_ =	shalt  }
0x78: {  	_ =	shalt  }
0x79: {  	_ =	shalt  }
0x7a: {  	_ =	shalt  }
0x7b: {  	_ =	shalt  }
0x7c: {  	_ =	shalt  }
0x7d: {  	_ =	shalt  }
0x7e: {  	_ =	shalt  }
0x7f: {  	_ =	shalt  }
0x80: {  	_ =	shalt  }
0x81: {  	_ =	shalt  }
0x82: {  	_ =	shalt  }
0x83: {  	_ =	shalt  }
0x84: {  	_ =	shalt  }
0x85: {  	_ =	shalt  }
0x86: {  	_ =	shalt  }
0x87: {  	_ =	shalt  }
.Lfunc_end0:
.L_simem_size_0:
called_computation_lowered:
.L_overlay_start_0:
0x88: {  	s2 =	sld [smem:$0x3FD9]  }
0x89: {  	s3 =	sld [smem:$0x3FFE];
	_ =	sdelay $0x1  }
0x8a: {  	s1 =	srdreg.scid  }
0x8b: {  	s0 =	sand.u32 $0x1, s1  }
0x8c: {  	s18 =	sshll.u32 s0, $0xA;
	s2 =	sadd.s32 s3, s2  }
0x8d: {  	s2 =	sadd.s32 s2, s18  }
0x8e: {  	[smem:$0x3FC7] =	sst s2  }
0x8f: {  	_ = 	snop  }
0x90: {  	s2 =	sld [smem:$0x3FC9]  }
0x91: {  	s19 =	sld [smem:$0x3FD0];
	(tm) =	ssettm $0x1  }
0x92: {  	s4 =	sld [smem:$0x3FFB];
	_ =	sdelay $0x3  }
0x93: {  	_ =	strace s4  }
0x94: {  	s4 =	sld [smem:$0x3FFC];
	_ =	sdelay $0x3  }
0x95: {  	_ =	strace s4  }
0x96: {  	s4 =	sld [smem:$0x3FFD];
	_ =	sdelay $0x3  }
0x97: {  	_ =	strace s4  }
0x98: {  	_ =	strace $0x8FFFFFFF  }
0x99: {  	s20 =	sld [smem:$0x3FDB];
	_ =	sdelay $0x1  }
0x9a: {  	s5 =	simm.s32 $_scs_section_size  }
0x9b: {  	s6 =	simm.s32 $_size__tile_overlayer_lowered;
	s7 =	simm.s32 $_tile_overlayer_lowered  }
0x9c: {  	s23 =	simm.s32 $0x1BFF;
	s22 =	sshll.u32 s7, $0x1;
	s4 =	sadd.s32 s5, s20  }
0x9d: {  	s8 =	simm.s32 $0x0;
	s21 =	sshll.u32 s6, $0x1;
	s6 =	sadd.s32 s22, s4  }
0x9e: {  	[timem:s8], [sflag:s23] =	dma.local [hbm:s6], s21  }
0x9f: {  	_ =	swait.ge [sflag:s23], s21  }
0xa0: {  	s5 =	ssub.s32 $0x0, s21;
	[sflag:s23] =	ssyncset.done $0x0  }
0xa1: {  	[sflag:s23] =	ssyncadd.s32 s5;
	_ =	sdelay $0x1  }
0xa2: {  	s24 =	simm.s32 $0x1B8B  }
0xa3: {  	_ =	swait.ge [sflag:s24], $0x1  }
0xa4: {  	[sflag:s24] =	ssyncset.done $0x0  }
0xa5: {  	s25 =	simm.s32 $0x1B8E;
	[sflag:s24] =	ssyncadd.s32 $0xFFFFFFFF  }
0xa6: {  	s26 =	simm.s32 $execute0_lowered;
	[smem:$0x3FD2] =	sst s25  }
0xa7: {  	s5 =	sshll.u32 s26, $0x1;
	_ =	strace $0x80000046;
	[dreg:$0x1] =	wrdreg $0xFFFFFFFF  }
0xa8: {  	s28 =	simm.s32 $_size_execute0_lowered;
	s4 =	sadd.s32 s4, s5;
	[dreg:$0x0] =	wrdreg $0x0  }
0xa9: {  	s5 =	sshll.u32 s28, $0x1;
	[dreg:$0x2] =	wrdreg s4  }
0xaa: {  	[dreg:$0x3] =	wrdreg s5  }
0xab: {  	[dreg:$0x4] =	wrdreg $0xC0  }
0xac: {  	_ =	task [dreg:s8], $0x5FFFF  }
0xad: {  	[dreg:$0x1] =	wrdreg $0xFFFFFFFF  }
0xae: {  	[dreg:$0x0] =	wrdreg $0x60  }
0xaf: {  	[dreg:$0x2] =	wrdreg s2  }
0xb0: {  	[dreg:$0x3] =	wrdreg s19  }
0xb1: {  	[dreg:$0x4] =	wrdreg $0x9  }
0xb2: {  	_ =	task.clear_ibuf [dreg:s8], $0x5FFFF;
	_ =	strace $0x90000046  }
0xb3: {  	s29 =	simm.s32 $0x9;
	_ =	strace $0x80000048  }
0xb4: {  	_ =	swait.ge [sflag:s29], $0x1  }
0xb5: {  	[sflag:s29] =	ssyncadd.s32 $0xFFFFFFFF  }
0xb6: {  	_ =	strace $0x90000048  }
0xb7: {  	_ =	sfence  }
0xb8: {  	s30 =	sld [smem:$0x0];
	_ =	sdelay $0x2  }
0xb9: {  	s31 =	sshll.u32 s1, $0xD;
	s1 =	sshrl.u32 s1, $0x2  }
0xba: {  	s3 =	sand.u32 $0x4000, s31;
	s1 =	sadd.s32 s1, s30  }
0xbb: {  	s0 =	sor.u32 s3, s0;
	s1 =	sshll.u32 s1, $0x11  }
0xbc: {  	s0 =	sor.u32 s1, s0  }
0xbd: {  	s0 =	sadd.s32 $0x8F2B, s0  }
0xbe: {  	[sflag:s0] =	ssyncadd.remote.s32 $0x1  }
0xbf: {  	_ =	sfence.sel $0xFFFF  }
0xc0: {  	[dreg:$0x0] =	wrdreg $0xFFFFFFFF;
	(pc) =	sbr.abs _section_cstart, $3  }
0xc1: {  	[dreg:$0x1] =	wrdreg $0xFFFFFFFF  }
0xc2: {  	_ =	task.clear_ibuf [dreg:s8], $0x2FFFF;
	_ =	strace $0x9FFFFFFF  }
0xc3: {  	(tm) =	ssettm $0x7FFFFFFF  }
tec
execute0_lowered:
.L_overlay_start_1:
0x0: {  	(tag) =	ssettag $0x1  }
0x1: {  	s0 =	stileid.u32  }
0x2: {  	s12 =	smul.u32 $0x1200, s0  }
0x3: {  	s1 =	srdreg.scid;
	s13 =	smul.u32 $0x900, s0  }
0x4: {  	s14 =	rddreg [dreg:$0x0];
	s10 =	sand.u32 $0x1, s1;
	s17 =	smul.u32 $0x90000, s0  }
0x5: {  	s2 =	rddreg [dreg:$0x1];
	s3 =	simm.s32 $0x0;
	s15 =	smul.u32 $0x480, s10  }
0x6: {  	s18 =	simm.s32 $0x2;
	s22 =	sshll.u32 s0, $0x1;
	s28 =	smul.u32 $0x48000, s10  }
0x7: {  	s19 =	simm.s32 $0x14000;
	s4 =	sor.u32 s10, s22;
	s29 =	smul.u32 $0x900, s10  }
0x8: {  	s20 =	simm.s32 $0x3;
	s1 =	rddreg [dreg:$0x2];
	s5 =	smul.u32 $0x480, s4  }
0x9: {  	s21 =	simm.s32 $0x4;
	[smem:$0x7FF] =	sst s3;
	s6 =	smul.u32 $0x900, s4  }
0xa: {  	_ =	strace $0x80000047;
	s25 =	ssub.s32 $0x2, s10;
	s7 =	smul.u32 $0x9000, s4  }
0xb: {  	s22 =	simm.s32 $0x0;
	s8 =	smul.u32 $0x48000, s4;
	s26 =	sshrl.u32 s25, $0x1  }
0xc: {  	s13 =	sadd.s32 s15, s13;
	s15 =	sadd.s32 s28, s17;
	s17 =	simm.s32 $0x8000  }
0xd: {  	s23 =	sor.u32 $0x40, s5;
	s24 =	sshrl.u32 s6, $0x3;
	s6 =	ssub.s32 s25, s26  }
0xe: {  	s8 =	sshrl.u32 s8, $0x3;
	s13 =	sadd.s32 $0xC0, s13;
	s31 =	sadd.s32 $0x14000, s15  }
0xf: {  	s15 =	sadd.s32 $0x10000, s15;
	s9 =	smul.u32 $0x180, s24;
	s4 =	sshrl.u32 s23, $0x2  }
0x10: {  	s6 =	smax.u32 s6, $0x1;
	s16 =	sadd.s32 s14, s8;
	s13 =	sshrl.u32 s13, $0x2  }
0x11: {  	s15 =	sshrl.u32 s15, $0x3;
	s11 =	smul.u32 $0x180, s4;
	s4 =	sadd.s32 s14, s7  }
.Ltmp0:
0x12: {  	s8 =	sadd.s32 $0x1000, s16;
	s10 =	sadd.s32 $0x1800, s16;
	(pc) =	sbr.rel .LBB2_1-.Ltmp0, $4  }
0x13: {  	s30 =	smul.u32 $0x180, s13;
	s13 =	sshrl.u32 s31, $0x3;
	s16 =	simm.s32 $0x1  }
0x14: {  	s5 =	sadd.s32 $0x800, s4;
	s7 =	sadd.s32 s2, s9;
	s13 =	sadd.s32 s13, s14  }
0x15: {  	s14 =	sadd.s32 s15, s14;
	s9 =	sadd.s32 s2, s11;
	s11 =	sadd.s32 s29, s12  }
0x16: {  	s15 =	simm.s32 $0x4000;
	s12 =	sadd.s32 s30, s2;
	s11 =	sadd.s32 $0x100, s11  }
.LBB2_4:
0x17: {  	s22 =	sadd.s32 $0x1, s22  }
0x18: {  	_ =	swait.ge [sflag:s20], $0xC000;
	p0 =	sne.s32 s22, s6  }
.Ltmp1:
0x19: {  	[sflag:s20] =	ssyncset.done $0x0;
	(pc) =	sbr.rel @!p0 .LBB2_5-.Ltmp1, $4  }
0x1a: {  	[sflag:s20] =	ssyncadd.s32 $0xFFFF4000  }
0x1b: {  	_ =	swait.ge [sflag:s21], $0xC000  }
0x1c: {  	[sflag:s21] =	ssyncset.done $0x0  }
0x1d: {  	[sflag:s21] =	ssyncadd.s32 $0xFFFF4000  }
.LBB2_1:
0x1e: {  	[tilespmem:s3], [sflag:$0x1] =	stream.linear.gather [hbm4b:s4+s3], $0x4000, $0x38;
	v63 =	vld [tilespmem:$0x0]  }
0x1f: {  	_ = 	snop  }
0x20: {  	[tilespmem:s15], [sflag:$0x2] =	stream.linear.gather [hbm4b:s5+s3], $0x4000, $0x38;
	v63 =	vld [tilespmem:$0x0]  }
0x21: {  	_ =	swait.ge [sflag:s16], $0x4000  }
0x22: {  	[sflag:s16] =	ssyncset.done $0x0  }
0x23: {  	[sflag:s16] =	ssyncadd.s32 $0xFFFFC000  }
0x24: {  	[hbm4b:s7+s3] =	stream.linear.scatter [tilespmem:s17], [sflag:$0x3], $0xC000, $0x38;
	v63 =	vld [tilespmem:$0x0]  }
0x25: {  	_ = 	snop  }
0x26: {  	[tilespmem:s3], [sflag:$0x1] =	stream.linear.gather [hbm4b:s8+s3], $0x4000, $0x38;
	v63 =	vld [tilespmem:$0x0]  }
0x27: {  	_ =	swait.ge [sflag:s18], $0x4000  }
0x28: {  	[sflag:s18] =	ssyncset.done $0x0  }
0x29: {  	[sflag:s18] =	ssyncadd.s32 $0xFFFFC000  }
0x2a: {  	[hbm4b:s9+s3] =	stream.linear.scatter [tilespmem:s19], [sflag:$0x4], $0xC000, $0x38;
	v63 =	vld [tilespmem:$0x0]  }
0x2b: {  	s23 =	simm.s32 $0x0;
	s24 =	smov.u32 s12;
	s25 =	smov.u32 s11  }
0x2c: {  	[tilespmem:s15], [sflag:$0x2] =	stream.linear.gather [hbm4b:s10+s3], $0x4000, $0x38;
	v63 =	vld [tilespmem:$0x0]  }
.LBB2_2:
0x2d: {  	_ =	swait.ge [sflag:s16], $0x4000  }
0x2e: {  	[sflag:s16] =	ssyncset.done $0x0  }
0x2f: {  	s26 =	sshrl.u32 s25, $0x3;
	[sflag:s16] =	ssyncadd.s32 $0xFFFFC000  }
0x30: {  	s26 =	smul.u32 $0x180, s26;
	_ =	swait.ge [sflag:s20], $0xC000  }
0x31: {  	[sflag:s20] =	ssyncset.done $0x0  }
0x32: {  	p0 =	seq.s32 s23, $0x7000;
	s26 =	sadd.s32 s2, s26;
	[sflag:s20] =	ssyncadd.s32 $0xFFFF4000  }
0x33: {  	[hbm4b:s26+s3] =	stream.linear.scatter [tilespmem:s17], [sflag:$0x3], $0xC000, $0x38;
	v63 =	vld [tilespmem:$0x0]  }
0x34: {  	s28 =	simm.s32 @!p0 $0x0;
	s26 =	sadd.s32 @!p0 s23, s14  }
0x35: {  	[tilespmem:s28], [sflag:$0x1] =	stream.linear.gather @!p0 [hbm4b:s26+s28], $0x4000, $0x38;
	v63 =	vld [tilespmem:$0x0]  }
0x36: {  	_ =	swait.ge [sflag:s18], $0x4000  }
0x37: {  	[sflag:s18] =	ssyncset.done $0x0  }
.Ltmp2:
0x38: {  	[sflag:s18] =	ssyncadd.s32 $0xFFFFC000;
	(pc) =	sbr.rel @p0 .LBB2_4-.Ltmp2, $4  }
0x39: {  	_ =	swait.ge [sflag:s21], $0xC000  }
0x3a: {  	[sflag:s21] =	ssyncset.done $0x0  }
0x3b: {  	[sflag:s21] =	ssyncadd.s32 $0xFFFF4000  }
0x3c: {  	[hbm4b:s24+s3] =	stream.linear.scatter [tilespmem:s19], [sflag:$0x4], $0xC000, $0x38;
	v63 =	vld [tilespmem:$0x0]  }
.Ltmp3:
0x3d: {  	(pc) =	sbr.rel .LBB2_2-.Ltmp3, $4  }
0x3e: {  	_ = 	snop  }
0x3f: {  	s26 =	sadd.s32 s23, s13  }
0x40: {  	s25 =	sadd.s32 $0x100, s25;
	s24 =	sadd.s32 $0x3000, s24;
	s23 =	sadd.s32 $0x1000, s23  }
0x41: {  	[tilespmem:s15], [sflag:$0x2] =	stream.linear.gather [hbm4b:s26+s3], $0x4000, $0x38;
	v63 =	vld [tilespmem:$0x0]  }
.LBB2_5:
0x42: {  	_ =	sfence.sel $0x180000  }
0x43: {  	[bflag:$0x0] =	sbarrier.arrive $0xFFFF  }
0x44: {  	p0 =	sne.s32 s0, $0x0;
	_ =	strace $0x90000047  }
0x45: {  	s0 =	sadd.s32 @!p0 $0x100000, s1;
	[bflag:$0x2] =	sbarrier.arrive $0xFFFF  }
0x46: {  	[sflag:s0] =	ssyncadd.tile.s32 @!p0 $0x1;
	_ =	shalt  }
.Lfunc_end2:
_tile_overlayer_lowered:
.L_overlay_start_2:
0x47: {  	(tag) =	ssettag $0x2  }
0x48: {  	s0 =	rddreg [dreg:$0x0];
	s2 =	stileid.u32  }
0x49: {  	s1 =	rddreg [dreg:$0x1];
	p0 =	sne.s32 s2, $0x0  }
0x4a: {  	s3 =	rddreg [dreg:$0x2];
	[bflag:$0x3] =	sbarrier.arrive $0xFFFF;
	s2 =	simm.s32 @!p0 $0x1C05  }
0x4b: {  	[timem:s3], [sflag:s2] =	dma.local @!p0 [hbm:s0], s1  }
0x4c: {  	s0 =	simm.s32 @!p0 $0x5  }
0x4d: {  	_ =	swait.ge @!p0 [sflag:s0], s1  }
0x4e: {  	s1 =	ssub.s32 @!p0 $0x0, s1;
	[sflag:s0] =	ssyncset.done @!p0 $0x0  }
0x4f: {  	[sflag:s0] =	ssyncadd.s32 @!p0 s1  }
0x50: {  	[bflag:$0x3] =	sbarrier.arrive $0xFFFF  }
0x51: {  	_ =	shalt  }

</sc_bundles>
